<compile_context>
chip_gen: v7x
topology: tpu7x:2x2x1
jax: 0.10.2.dev20260603
libtpu: 0.0.44.dev20260713+nightly
codegen_flags: <defaults>
</compile_context>

<pallas_src>
import jax
import jax.numpy as jnp
from jax import lax
from jax.experimental import pallas as pl
from jax.experimental.pallas import tpu as pltpu
from jax.experimental.pallas import tpu_sc as plsc

KCLS = 128
BATCH = 64
PIX = 32 * 32
OUT_WORDS = BATCH * KCLS * PIX

NC = 2
NS = 16
NW = NC * NS
BPW = BATCH // NW
WREG = BPW * KCLS * PIX
ZWORDS = 32768
NZD = WREG // ZWORDS


def _sc_body(x_hbm, out_hbm, zbuf, semz):
    cid = lax.axis_index("c")
    sid = lax.axis_index("s")
    wid = sid * NC + cid
    base = wid * WREG

    @pl.loop(0, ZWORDS // 16)
    def _zfill(i):
        zbuf[pl.ds(i * 16, 16)] = jnp.zeros((16,), jnp.float32)

    zcopies = [
        pltpu.make_async_copy(
            zbuf, out_hbm.at[pl.ds(base + k * ZWORDS, ZWORDS)], semz
        )
        for k in range(NZD)
    ]
    for cp in zcopies:
        cp.start()
    for cp in zcopies:
        cp.wait()


_fill = pl.kernel(
    _sc_body,
    out_type=jax.ShapeDtypeStruct((OUT_WORDS,), jnp.float32),
    mesh=plsc.VectorSubcoreMesh(core_axis_name="c", subcore_axis_name="s"),
    scratch_types=[
        pltpu.VMEM((ZWORDS,), jnp.float32),
        pltpu.SemaphoreType.DMA,
    ],
)


def kernel(x):
    x1d = x.astype(jnp.int32).reshape(BATCH * PIX)
    out = _fill(x1d)
    return out.reshape(BATCH, KCLS, 32, 32)

# --- scband reference (transcript-rebuilt; emitter-appended) ---
"""Pipeline reference for scband-one-hot-encoder-23167053595153 (READ-ONLY COPY).

The authoritative reference and input builder live on the scoring server;
editing this copy changes nothing except your own understanding.
"""

import jax, jax.numpy as jnp
import numpy as np

NUM_CLASSES = 128
SHAPE = (32, 32)


def setup_inputs(seed: int = 0) -> dict:
    key = jax.random.key(seed)
    x = jax.random.randint(key, (64, SHAPE[0], SHAPE[1]), 0, NUM_CLASSES)
    return {"x": x}


def reference(x):
    # Faithful translation of OneHotEncoder.forward
    x = x.astype(jnp.int32)
    x = x.reshape(-1)
    oh = jax.nn.one_hot(x, NUM_CLASSES, dtype=jnp.float32)
    oh = oh.reshape(-1, SHAPE[0], SHAPE[1], NUM_CLASSES)
    out = jnp.transpose(oh, (0, 3, 1, 2))
    return out

if __name__ == "__main__":
    import jax
    _d = setup_inputs()
    print(jax.jit(kernel)(*tuple(_d.values())))

</pallas_src>

<mosaic_0001>
#map = affine_map<(d0, d1) -> (0)>
module attributes {stable_mosaic.version = 14 : i64} {
  func.func @_sc_body(%arg0: i32, %arg1: i32, %arg2: memref<65536xi32, #tpu.memory_space<hbm>>, %arg3: memref<8388608xf32, #tpu.memory_space<hbm>>, %arg4: memref<32768xf32, #tpu.memory_space<vmem>>, %arg5: memref<!tpu.dma_semaphore, #tpu.memory_space<semaphore_mem>>) attributes {dimension_semantics = [#tpu.dimension_semantics<core_parallel>, #tpu.dimension_semantics<subcore_parallel>], iteration_bounds = array<i64: 2, 16>, scalar_prefetch = 0 : i64, scratch_operands = 2 : i64, tpu.core_type = #tpu.core_type<sc_vector_subcore>, window_params = [{transform_indices = #map}, {transform_indices = #map}]} {
    %mul3A = arith.constant 2 : i32
    %mul3A_0 = arith.muli %arg1, %mul3A : i32
    %add3A = arith.addi %mul3A_0, %arg0 : i32
    %mul3A_1 = arith.constant 262144 : i32
    %mul3A_2 = arith.muli %add3A, %mul3A_1 : i32
    %scan3A = arith.constant 0 : i32
    %scan3A_3 = arith.constant 2048 : i32
    %scan3A_4 = arith.addi %scan3A, %scan3A_3 : i32
    %scan3A_5 = arith.constant 1 : i32
    scf.for %scan3A_53 = %scan3A to %scan3A_4 step %scan3A_5  : i32 {
      %mul3A_54 = arith.constant 1 : i32
      %mul3A_55 = arith.muli %scan3A_53, %mul3A_54 : i32
      %add3A_56 = arith.constant 0 : i32
      %add3A_57 = arith.addi %add3A_56, %mul3A_55 : i32
      %broadcast_in_dim3A = arith.constant 0.000000e+00 : f32
      %broadcast_in_dim3A_58 = vector.broadcast %broadcast_in_dim3A : f32 to vector<16xf32>
      %mul3A_59 = arith.constant 16 : i32
      %mul3A_60 = arith.muli %add3A_57, %mul3A_59 : i32
      %swap3A = arith.index_cast %mul3A_60 : i32 to index
      %swap3A_61 = tpu.vector_load %arg4[%swap3A] {strides = array<i32>} : memref<32768xf32, #tpu.memory_space<vmem>>, vector<16xf32>,
      %swap3A_62 = vector.shape_cast %swap3A_61 : vector<16xf32> to vector<16xf32>
      %swap3A_63 = vector.shape_cast %broadcast_in_dim3A_58 : vector<16xf32> to vector<16xf32>
      tpu.vector_store %arg4[%swap3A], %swap3A_63 {strides = array<i32>} : memref<32768xf32, #tpu.memory_space<vmem>>, vector<16xf32>,
    }
    %scan3A_6 = arith.constant 2048 : i32
    %add3A_7 = arith.constant 0 : i32
    %add3A_8 = arith.addi %mul3A_2, %add3A_7 : i32
    %add3A_9 = arith.constant 32768 : i32
    %add3A_10 = arith.addi %mul3A_2, %add3A_9 : i32
    %add3A_11 = arith.constant 65536 : i32
    %add3A_12 = arith.addi %mul3A_2, %add3A_11 : i32
    %add3A_13 = arith.constant 98304 : i32
    %add3A_14 = arith.addi %mul3A_2, %add3A_13 : i32
    %add3A_15 = arith.constant 131072 : i32
    %add3A_16 = arith.addi %mul3A_2, %add3A_15 : i32
    %add3A_17 = arith.constant 163840 : i32
    %add3A_18 = arith.addi %mul3A_2, %add3A_17 : i32
    %add3A_19 = arith.constant 196608 : i32
    %add3A_20 = arith.addi %mul3A_2, %add3A_19 : i32
    %add3A_21 = arith.constant 229376 : i32
    %add3A_22 = arith.addi %mul3A_2, %add3A_21 : i32
    %dma_start3A = tpu.memref_slice %arg3[%add3A_8] : memref<8388608xf32, #tpu.memory_space<hbm>> -> memref<32768xf32, #tpu.memory_space<hbm>>
    %dma_start3A_23 = tpu.memref_slice %arg3[%add3A_8] : memref<8388608xf32, #tpu.memory_space<hbm>> -> memref<32768xf32, #tpu.memory_space<hbm>>
    tpu.enqueue_dma source(%arg4 : memref<32768xf32, #tpu.memory_space<vmem>>) target(%dma_start3A_23 : memref<32768xf32, #tpu.memory_space<hbm>>) target_semaphore(%arg5 : memref<!tpu.dma_semaphore, #tpu.memory_space<semaphore_mem>>)
    %dma_start3A_24 = tpu.memref_slice %arg3[%add3A_10] : memref<8388608xf32, #tpu.memory_space<hbm>> -> memref<32768xf32, #tpu.memory_space<hbm>>
    %dma_start3A_25 = tpu.memref_slice %arg3[%add3A_10] : memref<8388608xf32, #tpu.memory_space<hbm>> -> memref<32768xf32, #tpu.memory_space<hbm>>
    tpu.enqueue_dma source(%arg4 : memref<32768xf32, #tpu.memory_space<vmem>>) target(%dma_start3A_25 : memref<32768xf32, #tpu.memory_space<hbm>>) target_semaphore(%arg5 : memref<!tpu.dma_semaphore, #tpu.memory_space<semaphore_mem>>)
    %dma_start3A_26 = tpu.memref_slice %arg3[%add3A_12] : memref<8388608xf32, #tpu.memory_space<hbm>> -> memref<32768xf32, #tpu.memory_space<hbm>>
    %dma_start3A_27 = tpu.memref_slice %arg3[%add3A_12] : memref<8388608xf32, #tpu.memory_space<hbm>> -> memref<32768xf32, #tpu.memory_space<hbm>>
    tpu.enqueue_dma source(%arg4 : memref<32768xf32, #tpu.memory_space<vmem>>) target(%dma_start3A_27 : memref<32768xf32, #tpu.memory_space<hbm>>) target_semaphore(%arg5 : memref<!tpu.dma_semaphore, #tpu.memory_space<semaphore_mem>>)
    %dma_start3A_28 = tpu.memref_slice %arg3[%add3A_14] : memref<8388608xf32, #tpu.memory_space<hbm>> -> memref<32768xf32, #tpu.memory_space<hbm>>
    %dma_start3A_29 = tpu.memref_slice %arg3[%add3A_14] : memref<8388608xf32, #tpu.memory_space<hbm>> -> memref<32768xf32, #tpu.memory_space<hbm>>
    tpu.enqueue_dma source(%arg4 : memref<32768xf32, #tpu.memory_space<vmem>>) target(%dma_start3A_29 : memref<32768xf32, #tpu.memory_space<hbm>>) target_semaphore(%arg5 : memref<!tpu.dma_semaphore, #tpu.memory_space<semaphore_mem>>)
    %dma_start3A_30 = tpu.memref_slice %arg3[%add3A_16] : memref<8388608xf32, #tpu.memory_space<hbm>> -> memref<32768xf32, #tpu.memory_space<hbm>>
    %dma_start3A_31 = tpu.memref_slice %arg3[%add3A_16] : memref<8388608xf32, #tpu.memory_space<hbm>> -> memref<32768xf32, #tpu.memory_space<hbm>>
    tpu.enqueue_dma source(%arg4 : memref<32768xf32, #tpu.memory_space<vmem>>) target(%dma_start3A_31 : memref<32768xf32, #tpu.memory_space<hbm>>) target_semaphore(%arg5 : memref<!tpu.dma_semaphore, #tpu.memory_space<semaphore_mem>>)
    %dma_start3A_32 = tpu.memref_slice %arg3[%add3A_18] : memref<8388608xf32, #tpu.memory_space<hbm>> -> memref<32768xf32, #tpu.memory_space<hbm>>
    %dma_start3A_33 = tpu.memref_slice %arg3[%add3A_18] : memref<8388608xf32, #tpu.memory_space<hbm>> -> memref<32768xf32, #tpu.memory_space<hbm>>
    tpu.enqueue_dma source(%arg4 : memref<32768xf32, #tpu.memory_space<vmem>>) target(%dma_start3A_33 : memref<32768xf32, #tpu.memory_space<hbm>>) target_semaphore(%arg5 : memref<!tpu.dma_semaphore, #tpu.memory_space<semaphore_mem>>)
    %dma_start3A_34 = tpu.memref_slice %arg3[%add3A_20] : memref<8388608xf32, #tpu.memory_space<hbm>> -> memref<32768xf32, #tpu.memory_space<hbm>>
    %dma_start3A_35 = tpu.memref_slice %arg3[%add3A_20] : memref<8388608xf32, #tpu.memory_space<hbm>> -> memref<32768xf32, #tpu.memory_space<hbm>>
    tpu.enqueue_dma source(%arg4 : memref<32768xf32, #tpu.memory_space<vmem>>) target(%dma_start3A_35 : memref<32768xf32, #tpu.memory_space<hbm>>) target_semaphore(%arg5 : memref<!tpu.dma_semaphore, #tpu.memory_space<semaphore_mem>>)
    %dma_start3A_36 = tpu.memref_slice %arg3[%add3A_22] : memref<8388608xf32, #tpu.memory_space<hbm>> -> memref<32768xf32, #tpu.memory_space<hbm>>
    %dma_start3A_37 = tpu.memref_slice %arg3[%add3A_22] : memref<8388608xf32, #tpu.memory_space<hbm>> -> memref<32768xf32, #tpu.memory_space<hbm>>
    tpu.enqueue_dma source(%arg4 : memref<32768xf32, #tpu.memory_space<vmem>>) target(%dma_start3A_37 : memref<32768xf32, #tpu.memory_space<hbm>>) target_semaphore(%arg5 : memref<!tpu.dma_semaphore, #tpu.memory_space<semaphore_mem>>)
    %dma_wait3A = tpu.memref_slice %arg3[%add3A_8] : memref<8388608xf32, #tpu.memory_space<hbm>> -> memref<32768xf32, #tpu.memory_space<hbm>>
    %dma_wait3A_38 = tpu.memref_slice %arg3[%add3A_8] : memref<8388608xf32, #tpu.memory_space<hbm>> -> memref<32768xf32, #tpu.memory_space<hbm>>
    tpu.wait_dma2 semaphore(%arg5 : memref<!tpu.dma_semaphore, #tpu.memory_space<semaphore_mem>>) src(%arg4 : memref<32768xf32, #tpu.memory_space<vmem>>) dst(%dma_wait3A_38 : memref<32768xf32, #tpu.memory_space<hbm>>)
    %dma_wait3A_39 = tpu.memref_slice %arg3[%add3A_10] : memref<8388608xf32, #tpu.memory_space<hbm>> -> memref<32768xf32, #tpu.memory_space<hbm>>
    %dma_wait3A_40 = tpu.memref_slice %arg3[%add3A_10] : memref<8388608xf32, #tpu.memory_space<hbm>> -> memref<32768xf32, #tpu.memory_space<hbm>>
    tpu.wait_dma2 semaphore(%arg5 : memref<!tpu.dma_semaphore, #tpu.memory_space<semaphore_mem>>) src(%arg4 : memref<32768xf32, #tpu.memory_space<vmem>>) dst(%dma_wait3A_40 : memref<32768xf32, #tpu.memory_space<hbm>>)
    %dma_wait3A_41 = tpu.memref_slice %arg3[%add3A_12] : memref<8388608xf32, #tpu.memory_space<hbm>> -> memref<32768xf32, #tpu.memory_space<hbm>>
    %dma_wait3A_42 = tpu.memref_slice %arg3[%add3A_12] : memref<8388608xf32, #tpu.memory_space<hbm>> -> memref<32768xf32, #tpu.memory_space<hbm>>
    tpu.wait_dma2 semaphore(%arg5 : memref<!tpu.dma_semaphore, #tpu.memory_space<semaphore_mem>>) src(%arg4 : memref<32768xf32, #tpu.memory_space<vmem>>) dst(%dma_wait3A_42 : memref<32768xf32, #tpu.memory_space<hbm>>)
    %dma_wait3A_43 = tpu.memref_slice %arg3[%add3A_14] : memref<8388608xf32, #tpu.memory_space<hbm>> -> memref<32768xf32, #tpu.memory_space<hbm>>
    %dma_wait3A_44 = tpu.memref_slice %arg3[%add3A_14] : memref<8388608xf32, #tpu.memory_space<hbm>> -> memref<32768xf32, #tpu.memory_space<hbm>>
    tpu.wait_dma2 semaphore(%arg5 : memref<!tpu.dma_semaphore, #tpu.memory_space<semaphore_mem>>) src(%arg4 : memref<32768xf32, #tpu.memory_space<vmem>>) dst(%dma_wait3A_44 : memref<32768xf32, #tpu.memory_space<hbm>>)
    %dma_wait3A_45 = tpu.memref_slice %arg3[%add3A_16] : memref<8388608xf32, #tpu.memory_space<hbm>> -> memref<32768xf32, #tpu.memory_space<hbm>>
    %dma_wait3A_46 = tpu.memref_slice %arg3[%add3A_16] : memref<8388608xf32, #tpu.memory_space<hbm>> -> memref<32768xf32, #tpu.memory_space<hbm>>
    tpu.wait_dma2 semaphore(%arg5 : memref<!tpu.dma_semaphore, #tpu.memory_space<semaphore_mem>>) src(%arg4 : memref<32768xf32, #tpu.memory_space<vmem>>) dst(%dma_wait3A_46 : memref<32768xf32, #tpu.memory_space<hbm>>)
    %dma_wait3A_47 = tpu.memref_slice %arg3[%add3A_18] : memref<8388608xf32, #tpu.memory_space<hbm>> -> memref<32768xf32, #tpu.memory_space<hbm>>
    %dma_wait3A_48 = tpu.memref_slice %arg3[%add3A_18] : memref<8388608xf32, #tpu.memory_space<hbm>> -> memref<32768xf32, #tpu.memory_space<hbm>>
    tpu.wait_dma2 semaphore(%arg5 : memref<!tpu.dma_semaphore, #tpu.memory_space<semaphore_mem>>) src(%arg4 : memref<32768xf32, #tpu.memory_space<vmem>>) dst(%dma_wait3A_48 : memref<32768xf32, #tpu.memory_space<hbm>>)
    %dma_wait3A_49 = tpu.memref_slice %arg3[%add3A_20] : memref<8388608xf32, #tpu.memory_space<hbm>> -> memref<32768xf32, #tpu.memory_space<hbm>>
    %dma_wait3A_50 = tpu.memref_slice %arg3[%add3A_20] : memref<8388608xf32, #tpu.memory_space<hbm>> -> memref<32768xf32, #tpu.memory_space<hbm>>
    tpu.wait_dma2 semaphore(%arg5 : memref<!tpu.dma_semaphore, #tpu.memory_space<semaphore_mem>>) src(%arg4 : memref<32768xf32, #tpu.memory_space<vmem>>) dst(%dma_wait3A_50 : memref<32768xf32, #tpu.memory_space<hbm>>)
    %dma_wait3A_51 = tpu.memref_slice %arg3[%add3A_22] : memref<8388608xf32, #tpu.memory_space<hbm>> -> memref<32768xf32, #tpu.memory_space<hbm>>
    %dma_wait3A_52 = tpu.memref_slice %arg3[%add3A_22] : memref<8388608xf32, #tpu.memory_space<hbm>> -> memref<32768xf32, #tpu.memory_space<hbm>>
    tpu.wait_dma2 semaphore(%arg5 : memref<!tpu.dma_semaphore, #tpu.memory_space<semaphore_mem>>) src(%arg4 : memref<32768xf32, #tpu.memory_space<vmem>>) dst(%dma_wait3A_52 : memref<32768xf32, #tpu.memory_space<hbm>>)
    return
  }
}

</mosaic_0001>

<sc_bundles>
// kernel: kernel.3.cloned.1.call-start
scs
__scs_entry_jumppad:
0x0: {  	(pc) =	sbr.rel $0x88, $3  }
0x1: {  	(tag) =	ssettag $0x0;
	lr =	simm.s32 $0x1  }
0x2: {  	[smem:$0x3FA0] =	sst lr;
	_ =	strace $0xD0000000  }
0x3: {  	_ = 	snop  }
0x4: {  	_ = 	snop  }
0x5: {  	_ = 	snop  }
0x6: {  	_ = 	snop  }
0x7: {  	_ = 	snop  }
__scs_overlays_trampoline_lowered:
0x8: {  	[smem:$0x3FAF] =	sst s0  }
0x9: {  	[smem:$0x3FB0] =	sst s1  }
0xa: {  	[smem:$0x3FB1] =	sst s2  }
0xb: {  	[smem:$0x3FB2] =	sst s3  }
0xc: {  	[smem:$0x3FB3] =	sst s4  }
0xd: {  	[smem:$0x3FB4] =	sst s5  }
0xe: {  	[smem:$0x3FB5] =	sst s6  }
0xf: {  	[smem:$0x3FB6] =	sst s7  }
0x10: {  	[smem:$0x3FB7] =	sst s8  }
0x11: {  	[smem:$0x3FB8] =	sst s9;
	s0 =	simm.s32 @!p0 $0x0  }
0x12: {  	s1 =	sld [smem:$0x3F9E];
	s0 =	simm.s32 @p0 $0x1  }
0x13: {  	[smem:$0x3FB9] =	sst s0;
	s0 =	simm.s32 @!p1 $0x0  }
0x14: {  	s2 =	sld [smem:$0x3F9D];
	s0 =	simm.s32 @p1 $0x1  }
0x15: {  	[smem:$0x3FBA] =	sst s0;
	s0 =	simm.s32 @!p2 $0x0  }
0x16: {  	s3 =	sld [smem:$0x3FDB];
	s0 =	simm.s32 @p2 $0x1  }
0x17: {  	s4 =	simm.s32 $0x1BF5;
	[smem:$0x3FBC] =	sst s0  }
0x18: {  	s0 =	sld [smem:$0x3F9F];
	_ =	swait.ge [sflag:s4], $0x0  }
0x19: {  	s7 =	sld [smem:$0x3FA0]  }
0x1a: {  	s8 =	sadd.s32 $0xFFFFE003, lr  }
0x1b: {  	s9 =	sadd.s32 $0xFFFFFEF7, lr;
	s5 =	simm.s32 $0xFFFFFFFF;
	p2 =	slt.u32 s8, $0xFFFFF086  }
0x1c: {  	p1 =	slt.u32 s9, $0xF7A;
	s5 =	simm.s32 @!p2 $0x0  }
0x1d: {  	s5 =	simm.s32 @p1 $0x1;
	p0 =	seq.s32 s7, s2  }
0x1e: {  	s7 =	smul.u32 @!p0 $0xF7A, s2;
	p2 =	seq.s32 @!p0 s5, $0x0  }
0x1f: {  	s9 =	smul.u32 $0xF7A, s1;
	s8 =	simm.s32 @!p0 $0x1BF5;
	p2 =	por !p2, p0  }
0x20: {  	[sflag:s8] =	ssyncset.s32 @!p0 $0xFFFFF086;
	s6 =	sadd.s32 @!p0 s3, s7;
	s7 =	simm.s32 @!p0 $0x108  }
0x21: {  	s3 =	sadd.s32 s3, s9;
	s6 =	sadd.s32 @!p0 $0x88, s6;
	s7 =	simm.s32 @p2 $0x1082  }
0x22: {  	[simem:s7], [sflag:s8] =	dma.local @!p0 [hbm:s6], $0xF7A  }
0x23: {  	s9 =	sor.u32 $0xD0000000, s2;
	s6 =	simm.s32 $0x108;
	_ =	swait.ge @!p0 [sflag:s8], $0x0  }
0x24: {  	s3 =	sadd.s32 $0x88, s3;
	s6 =	simm.s32 @!p1 $0x1082;
	[sflag:s4] =	ssyncset.s32 $0xFFFFF086  }
0x25: {  	[simem:s6], [sflag:s4] =	dma.local [hbm:s3], $0xF7A  }
0x26: {  	[smem:$0x3FA0] =	sst s1;
	(tag) =	ssettag s2;
	_ =	strace s9  }
0x27: {  	s1 =	sld [smem:$0x3FB0]  }
0x28: {  	s2 =	sld [smem:$0x3FB1]  }
0x29: {  	s4 =	sld [smem:$0x3FB3]  }
0x2a: {  	p0 =	seq.s32 s5, $0x0;
	s5 =	sld [smem:$0x3FB4]  }
0x2b: {  	s6 =	sld [smem:$0x3FB5]  }
0x2c: {  	s7 =	sld [smem:$0x3FB6]  }
0x2d: {  	s3 =	simm.s32 $0x108;
	s8 =	sld [smem:$0x3FB7]  }
0x2e: {  	s3 =	simm.s32 @!p0 $0x1082;
	s9 =	sld [smem:$0x3FB8]  }
0x2f: {  	lr =	sadd.s32 s0, s3;
	s0 =	sld [smem:$0x3FAF]  }
0x30: {  	s3 =	sld [smem:$0x3FB2]  }
0x31: {  	[smem:$0x3FBB] =	sst s10  }
0x32: {  	s10 =	sld [smem:$0x3FB9];
	_ =	sdelay $0x3  }
0x33: {  	p0 =	seq.s32 s10, $0x1;
	s10 =	sld [smem:$0x3FBB];
	_ =	sdelay $0x3  }
0x34: {  	[smem:$0x3FBB] =	sst s10  }
0x35: {  	s10 =	sld [smem:$0x3FBA];
	_ =	sdelay $0x3  }
0x36: {  	p1 =	seq.s32 s10, $0x1;
	s10 =	sld [smem:$0x3FBB];
	_ =	sdelay $0x3  }
0x37: {  	[smem:$0x3FBB] =	sst s10  }
0x38: {  	s10 =	sld [smem:$0x3FBC]  }
0x39: {  	_ = 	snop;
	(pc) =	sbr.ind lr, $3  }
0x3a: {  	_ = 	snop  }
0x3b: {  	_ = 	snop  }
0x3c: {  	p2 =	seq.s32 s10, $0x1;
	s10 =	sld [smem:$0x3FBB]  }
0x3d: {  	_ =	shalt  }
0x3e: {  	_ =	shalt  }
0x3f: {  	_ =	shalt  }
0x40: {  	_ =	shalt  }
0x41: {  	_ =	shalt  }
0x42: {  	_ =	shalt  }
0x43: {  	_ =	shalt  }
0x44: {  	_ =	shalt  }
0x45: {  	_ =	shalt  }
0x46: {  	_ =	shalt  }
0x47: {  	_ =	shalt  }
0x48: {  	_ =	shalt  }
0x49: {  	_ =	shalt  }
0x4a: {  	_ =	shalt  }
0x4b: {  	_ =	shalt  }
0x4c: {  	_ =	shalt  }
0x4d: {  	_ =	shalt  }
0x4e: {  	_ =	shalt  }
0x4f: {  	_ =	shalt  }
0x50: {  	_ =	shalt  }
0x51: {  	_ =	shalt  }
0x52: {  	_ =	shalt  }
0x53: {  	_ =	shalt  }
0x54: {  	_ =	shalt  }
0x55: {  	_ =	shalt  }
0x56: {  	_ =	shalt  }
0x57: {  	_ =	shalt  }
0x58: {  	_ =	shalt  }
0x59: {  	_ =	shalt  }
0x5a: {  	_ =	shalt  }
0x5b: {  	_ =	shalt  }
0x5c: {  	_ =	shalt  }
0x5d: {  	_ =	shalt  }
0x5e: {  	_ =	shalt  }
0x5f: {  	_ =	shalt  }
0x60: {  	_ =	shalt  }
0x61: {  	_ =	shalt  }
0x62: {  	_ =	shalt  }
0x63: {  	_ =	shalt  }
0x64: {  	_ =	shalt  }
0x65: {  	_ =	shalt  }
0x66: {  	_ =	shalt  }
0x67: {  	_ =	shalt  }
0x68: {  	_ =	shalt  }
0x69: {  	_ =	shalt  }
0x6a: {  	_ =	shalt  }
0x6b: {  	_ =	shalt  }
0x6c: {  	_ =	shalt  }
0x6d: {  	_ =	shalt  }
0x6e: {  	_ =	shalt  }
0x6f: {  	_ =	shalt  }
0x70: {  	_ =	shalt  }
0x71: {  	_ =	shalt  }
0x72: {  	_ =	shalt  }
0x73: {  	_ =	shalt  }
0x74: {  	_ =	shalt  }
0x75: {  	_ =	shalt  }
0x76: {  	_ =	shalt  }
0x77: {  	_ =	shalt  }
0x78: {  	_ =	shalt  }
0x79: {  	_ =	shalt  }
0x7a: {  	_ =	shalt  }
0x7b: {  	_ =	shalt  }
0x7c: {  	_ =	shalt  }
0x7d: {  	_ =	shalt  }
0x7e: {  	_ =	shalt  }
0x7f: {  	_ =	shalt  }
0x80: {  	_ =	shalt  }
0x81: {  	_ =	shalt  }
0x82: {  	_ =	shalt  }
0x83: {  	_ =	shalt  }
0x84: {  	_ =	shalt  }
0x85: {  	_ =	shalt  }
0x86: {  	_ =	shalt  }
0x87: {  	_ =	shalt  }
.Lfunc_end0:
.L_simem_size_0:
called_computation.1_lowered:
.L_overlay_start_0:
0x88: {  	s2 =	sld [smem:$0x3FD9]  }
0x89: {  	s3 =	sld [smem:$0x3FFE];
	_ =	sdelay $0x1  }
0x8a: {  	s1 =	srdreg.scid  }
0x8b: {  	s0 =	sand.u32 $0x1, s1  }
0x8c: {  	s18 =	sshll.u32 s0, $0xA;
	s2 =	sadd.s32 s3, s2  }
0x8d: {  	s2 =	sadd.s32 s2, s18  }
0x8e: {  	[smem:$0x3FC7] =	sst s2  }
0x8f: {  	_ = 	snop  }
0x90: {  	s2 =	sld [smem:$0x3FD0];
	(tm) =	ssettm $0x1  }
0x91: {  	s19 =	sld [smem:$0x3FFB];
	_ =	sdelay $0x3  }
0x92: {  	_ =	strace s19  }
0x93: {  	s3 =	sld [smem:$0x3FFC];
	_ =	sdelay $0x3  }
0x94: {  	_ =	strace s3  }
0x95: {  	s3 =	sld [smem:$0x3FFD];
	_ =	sdelay $0x3  }
0x96: {  	_ =	strace s3  }
0x97: {  	_ =	strace $0x8FFFFFFF  }
0x98: {  	s20 =	sld [smem:$0x3FDB];
	_ =	sdelay $0x1  }
0x99: {  	s4 =	simm.s32 $_scs_section_size  }
0x9a: {  	s5 =	simm.s32 $_size__tile_overlayer_lowered;
	s6 =	simm.s32 $_tile_overlayer_lowered  }
0x9b: {  	s23 =	simm.s32 $0x1BFF;
	s22 =	sshll.u32 s6, $0x1;
	s3 =	sadd.s32 s4, s20  }
0x9c: {  	s7 =	simm.s32 $0x0;
	s21 =	sshll.u32 s5, $0x1;
	s5 =	sadd.s32 s22, s3  }
0x9d: {  	[timem:s7], [sflag:s23] =	dma.local [hbm:s5], s21  }
0x9e: {  	_ =	swait.ge [sflag:s23], s21  }
0x9f: {  	s4 =	ssub.s32 $0x0, s21;
	[sflag:s23] =	ssyncset.done $0x0  }
0xa0: {  	[sflag:s23] =	ssyncadd.s32 s4;
	_ =	sdelay $0x1  }
0xa1: {  	s24 =	simm.s32 $0x1B8B  }
0xa2: {  	_ =	swait.ge [sflag:s24], $0x1  }
0xa3: {  	[sflag:s24] =	ssyncset.done $0x0  }
0xa4: {  	s25 =	simm.s32 $0x1B8E;
	[sflag:s24] =	ssyncadd.s32 $0xFFFFFFFF  }
0xa5: {  	s26 =	simm.s32 $execute0_lowered;
	[smem:$0x3FD2] =	sst s25  }
0xa6: {  	s4 =	sshll.u32 s26, $0x1;
	_ =	strace $0x80000046;
	[dreg:$0x1] =	wrdreg $0xFFFFFFFF  }
0xa7: {  	s28 =	simm.s32 $_size_execute0_lowered;
	s3 =	sadd.s32 s3, s4;
	[dreg:$0x0] =	wrdreg $0x0  }
0xa8: {  	s4 =	sshll.u32 s28, $0x1;
	[dreg:$0x2] =	wrdreg s3  }
0xa9: {  	[dreg:$0x3] =	wrdreg s4  }
0xaa: {  	[dreg:$0x4] =	wrdreg $0xC0  }
0xab: {  	_ =	task [dreg:s7], $0x5FFFF  }
0xac: {  	[dreg:$0x1] =	wrdreg $0xFFFFFFFF  }
0xad: {  	[dreg:$0x0] =	wrdreg $0x60  }
0xae: {  	[dreg:$0x2] =	wrdreg s2  }
0xaf: {  	[dreg:$0x3] =	wrdreg $0x9  }
0xb0: {  	_ =	task.clear_ibuf [dreg:s7], $0x4FFFF;
	_ =	strace $0x90000046  }
0xb1: {  	s29 =	simm.s32 $0x9;
	_ =	strace $0x80000048  }
0xb2: {  	_ =	swait.ge [sflag:s29], $0x1  }
0xb3: {  	[sflag:s29] =	ssyncadd.s32 $0xFFFFFFFF  }
0xb4: {  	_ =	strace $0x90000048  }
0xb5: {  	_ =	sfence  }
0xb6: {  	s30 =	sld [smem:$0x0];
	_ =	sdelay $0x2  }
0xb7: {  	s31 =	sshll.u32 s1, $0xD;
	s1 =	sshrl.u32 s1, $0x2  }
0xb8: {  	s3 =	sand.u32 $0x4000, s31;
	s1 =	sadd.s32 s1, s30  }
0xb9: {  	s0 =	sor.u32 s3, s0;
	s1 =	sshll.u32 s1, $0x11  }
0xba: {  	s0 =	sor.u32 s1, s0  }
0xbb: {  	s0 =	sadd.s32 $0x8F2B, s0  }
0xbc: {  	[sflag:s0] =	ssyncadd.remote.s32 $0x1  }
0xbd: {  	_ =	sfence.sel $0xFFFF  }
0xbe: {  	[dreg:$0x0] =	wrdreg $0xFFFFFFFF;
	(pc) =	sbr.abs _section_cstart, $3  }
0xbf: {  	[dreg:$0x1] =	wrdreg $0xFFFFFFFF  }
0xc0: {  	_ =	task.clear_ibuf [dreg:s7], $0x2FFFF;
	_ =	strace $0x9FFFFFFF  }
0xc1: {  	(tm) =	ssettm $0x7FFFFFFF  }
tec
execute0_lowered:
.L_overlay_start_1:
0x0: {  	(tag) =	ssettag $0x1  }
0x1: {  	s0 =	srdreg.scid  }
0x2: {  	s3 =	rddreg [dreg:$0x0];
	s1 =	stileid.u32;
	s2 =	simm.s32 $0x0  }
0x3: {  	s12 =	simm.s32 $0x1;
	s13 =	simm.s32 $0x0;
	s4 =	sand.u32 $0x1, s0  }
0x4: {  	s0 =	rddreg [dreg:$0x1];
	s5 =	sshll.u32 s1, $0x10;
	s6 =	sshll.u32 s4, $0xF  }
0x5: {  	[smem:$0x7FF] =	sst s2;
	s4 =	ssub.s32 $0x2, s4;
	s5 =	sor.u32 s6, s5  }
0x6: {  	_ =	strace $0x80000047;
	s31 =	sshrl.u32 s4, $0x1;
	s3 =	sadd.s32 s3, s5  }
0x7: {  	s11 =	ssub.s32 s4, s31;
	s4 =	sadd.s32 $0x1000, s3;
	s5 =	sadd.s32 $0x2000, s3  }
0x8: {  	s6 =	sadd.s32 $0x3000, s3;
	s7 =	sadd.s32 $0x4000, s3;
	s8 =	sadd.s32 $0x5000, s3  }
0x9: {  	v0 =	vimm.f32 $0.0e+00;
	s9 =	sadd.s32 $0x6000, s3;
	s10 =	sadd.s32 $0x7000, s3;
	s11 =	smax.u32 s11, $0x1  }
.LBB2_1:
0xa: {  	s14 =	simm.s32 $0x40;
	s15 =	simm.s32 $0x0  }
.LBB2_2:
0xb: {  	p0 =	sne.s32 s14, $0x1FFC0;
	[tilespmem:s15+$0x0] =	vst v0;
	s15 =	smov.u32 s14;
	s14 =	sadd.s32 $0x40, s14  }
.Ltmp0:
0xc: {  	(pc) =	sbr.rel @p0 .LBB2_2-.Ltmp0, $2  }
0xd: {  	_ =	sdelay $0x2  }
0xe: {  	s15 =	sshra.s32 s15, $0x2  }
0xf: {  	[tilespmem:s15+$0x0] =	vst v0  }
0x10: {  	[hbm4b:s3+s2] =	stream.linear.scatter [tilespmem:s2], [sflag:$0x1], $0x8000, $0x38;
	[tilespmem:$0x8000] =	vst v63  }
0x11: {  	_ = 	snop  }
0x12: {  	[hbm4b:s4+s2] =	stream.linear.scatter [tilespmem:s2], [sflag:$0x1], $0x8000, $0x38;
	[tilespmem:$0x8000] =	vst v63  }
0x13: {  	_ = 	snop  }
0x14: {  	[hbm4b:s5+s2] =	stream.linear.scatter [tilespmem:s2], [sflag:$0x1], $0x8000, $0x38;
	[tilespmem:$0x8000] =	vst v63  }
0x15: {  	_ = 	snop  }
0x16: {  	[hbm4b:s6+s2] =	stream.linear.scatter [tilespmem:s2], [sflag:$0x1], $0x8000, $0x38;
	[tilespmem:$0x8000] =	vst v63  }
0x17: {  	_ = 	snop  }
0x18: {  	[hbm4b:s7+s2] =	stream.linear.scatter [tilespmem:s2], [sflag:$0x1], $0x8000, $0x38;
	[tilespmem:$0x8000] =	vst v63  }
0x19: {  	_ = 	snop  }
0x1a: {  	[hbm4b:s8+s2] =	stream.linear.scatter [tilespmem:s2], [sflag:$0x1], $0x8000, $0x38;
	[tilespmem:$0x8000] =	vst v63  }
0x1b: {  	_ = 	snop  }
0x1c: {  	[hbm4b:s9+s2] =	stream.linear.scatter [tilespmem:s2], [sflag:$0x1], $0x8000, $0x38;
	[tilespmem:$0x8000] =	vst v63  }
0x1d: {  	_ = 	snop  }
0x1e: {  	[hbm4b:s10+s2] =	stream.linear.scatter [tilespmem:s2], [sflag:$0x1], $0x8000, $0x38;
	[tilespmem:$0x8000] =	vst v63  }
0x1f: {  	_ =	swait.ge [sflag:s12], $0x8000  }
0x20: {  	[sflag:s12] =	ssyncset.done $0x0  }
0x21: {  	[sflag:s12] =	ssyncadd.s32 $0xFFFF8000  }
0x22: {  	_ =	swait.ge [sflag:s12], $0x8000  }
0x23: {  	[sflag:s12] =	ssyncset.done $0x0  }
0x24: {  	[sflag:s12] =	ssyncadd.s32 $0xFFFF8000  }
0x25: {  	_ =	swait.ge [sflag:s12], $0x8000  }
0x26: {  	[sflag:s12] =	ssyncset.done $0x0  }
0x27: {  	[sflag:s12] =	ssyncadd.s32 $0xFFFF8000  }
0x28: {  	_ =	swait.ge [sflag:s12], $0x8000  }
0x29: {  	[sflag:s12] =	ssyncset.done $0x0  }
0x2a: {  	[sflag:s12] =	ssyncadd.s32 $0xFFFF8000  }
0x2b: {  	_ =	swait.ge [sflag:s12], $0x8000  }
0x2c: {  	[sflag:s12] =	ssyncset.done $0x0  }
0x2d: {  	[sflag:s12] =	ssyncadd.s32 $0xFFFF8000  }
0x2e: {  	_ =	swait.ge [sflag:s12], $0x8000  }
0x2f: {  	[sflag:s12] =	ssyncset.done $0x0  }
0x30: {  	s13 =	sadd.s32 $0x1, s13;
	[sflag:s12] =	ssyncadd.s32 $0xFFFF8000  }
0x31: {  	p0 =	sne.s32 s13, s11;
	_ =	swait.ge [sflag:s12], $0x8000  }
.Ltmp1:
0x32: {  	[sflag:s12] =	ssyncset.done $0x0;
	(pc) =	sbr.rel @p0 .LBB2_1-.Ltmp1, $4  }
0x33: {  	[sflag:s12] =	ssyncadd.s32 $0xFFFF8000  }
0x34: {  	_ =	swait.ge [sflag:s12], $0x8000  }
0x35: {  	[sflag:s12] =	ssyncset.done $0x0  }
0x36: {  	[sflag:s12] =	ssyncadd.s32 $0xFFFF8000  }
0x37: {  	_ =	sfence.sel $0x180000  }
0x38: {  	[bflag:$0x0] =	sbarrier.arrive $0xFFFF  }
0x39: {  	p0 =	sne.s32 s1, $0x0;
	_ =	strace $0x90000047  }
0x3a: {  	s0 =	sadd.s32 @!p0 $0x100000, s0;
	[bflag:$0x2] =	sbarrier.arrive $0xFFFF  }
0x3b: {  	[sflag:s0] =	ssyncadd.tile.s32 @!p0 $0x1;
	_ =	shalt  }
.Lfunc_end2:
_tile_overlayer_lowered:
.L_overlay_start_2:
0x3c: {  	(tag) =	ssettag $0x2  }
0x3d: {  	s0 =	rddreg [dreg:$0x0];
	s2 =	stileid.u32  }
0x3e: {  	s1 =	rddreg [dreg:$0x1];
	p0 =	sne.s32 s2, $0x0  }
0x3f: {  	s3 =	rddreg [dreg:$0x2];
	[bflag:$0x3] =	sbarrier.arrive $0xFFFF;
	s2 =	simm.s32 @!p0 $0x1C02  }
0x40: {  	[timem:s3], [sflag:s2] =	dma.local @!p0 [hbm:s0], s1  }
0x41: {  	s0 =	simm.s32 @!p0 $0x2  }
0x42: {  	_ =	swait.ge @!p0 [sflag:s0], s1  }
0x43: {  	s1 =	ssub.s32 @!p0 $0x0, s1;
	[sflag:s0] =	ssyncset.done @!p0 $0x0  }
0x44: {  	[sflag:s0] =	ssyncadd.s32 @!p0 s1  }
0x45: {  	[bflag:$0x3] =	sbarrier.arrive $0xFFFF  }
0x46: {  	_ =	shalt  }

// kernel: sparse-core-data-format-call.cloned.1.call-start
scs
called_computation_lowered:
.L_overlay_start_0:
0x0: {  	s2 =	sld [smem:$0x3FD9]  }
0x1: {  	s3 =	sld [smem:$0x3FFE];
	_ =	sdelay $0x1  }
0x2: {  	s1 =	srdreg.scid  }
0x3: {  	s0 =	sand.u32 $0x1, s1  }
0x4: {  	s18 =	sshll.u32 s0, $0xA;
	s2 =	sadd.s32 s3, s2  }
0x5: {  	s2 =	sadd.s32 s2, s18  }
0x6: {  	[smem:$0x3FC7] =	sst s2  }
0x7: {  	_ = 	snop  }
0x8: {  	s2 =	sld [smem:$0x3FD0];
	(tm) =	ssettm $0x1  }
0x9: {  	s19 =	sld [smem:$0x3FFB];
	_ =	sdelay $0x3  }
0xa: {  	_ =	strace s19  }
0xb: {  	s3 =	sld [smem:$0x3FFC];
	_ =	sdelay $0x3  }
0xc: {  	_ =	strace s3  }
0xd: {  	s3 =	sld [smem:$0x3FFD];
	_ =	sdelay $0x3  }
0xe: {  	_ =	strace s3  }
0xf: {  	_ =	strace $0x8FFFFFFF  }
0x10: {  	s20 =	sld [smem:$0x3FDB];
	_ =	sdelay $0x1  }
0x11: {  	s4 =	simm.s32 $_scs_section_size  }
0x12: {  	s5 =	simm.s32 $_size__tile_overlayer_lowered;
	s6 =	simm.s32 $_tile_overlayer_lowered  }
0x13: {  	s23 =	simm.s32 $0x1BFF;
	s22 =	sshll.u32 s6, $0x1;
	s3 =	sadd.s32 s4, s20  }
0x14: {  	s7 =	simm.s32 $0x0;
	s21 =	sshll.u32 s5, $0x1;
	s5 =	sadd.s32 s22, s3  }
0x15: {  	[timem:s7], [sflag:s23] =	dma.local [hbm:s5], s21  }
0x16: {  	_ =	swait.ge [sflag:s23], s21  }
0x17: {  	s4 =	ssub.s32 $0x0, s21;
	[sflag:s23] =	ssyncset.done $0x0  }
0x18: {  	[sflag:s23] =	ssyncadd.s32 s4;
	_ =	sdelay $0x1  }
0x19: {  	s24 =	simm.s32 $0x1B8B  }
0x1a: {  	_ =	swait.ge [sflag:s24], $0x1  }
0x1b: {  	[sflag:s24] =	ssyncset.done $0x0  }
0x1c: {  	s26 =	simm.s32 $0x1B8E;
	s25 =	sld [smem:$0x3FFE];
	[sflag:s24] =	ssyncadd.s32 $0xFFFFFFFF  }
0x1d: {  	s27 =	simm.s32 $execute0_lowered;
	[smem:$0x3FD2] =	sst s26  }
0x1e: {  	s5 =	sshll.u32 s27, $0x1;
	_ =	strace $0x80000049;
	[dreg:$0x1] =	wrdreg $0xFFFFFFFF  }
0x1f: {  	s28 =	simm.s32 $_size_execute0_lowered;
	s3 =	sadd.s32 s3, s5;
	[dreg:$0x0] =	wrdreg $0x0  }
0x20: {  	s5 =	sshll.u32 s28, $0x1;
	[dreg:$0x2] =	wrdreg s3  }
0x21: {  	[dreg:$0x3] =	wrdreg s5  }
0x22: {  	[dreg:$0x4] =	wrdreg $0xC0  }
0x23: {  	_ =	task [dreg:s7], $0x5FFFF  }
0x24: {  	[dreg:$0x1] =	wrdreg $0xFFFFFFFF  }
0x25: {  	[dreg:$0x0] =	wrdreg $0x60  }
0x26: {  	[dreg:$0x2] =	wrdreg s25  }
0x27: {  	[dreg:$0x3] =	wrdreg s2  }
0x28: {  	[dreg:$0x4] =	wrdreg $0x9  }
0x29: {  	_ =	task.clear_ibuf [dreg:s7], $0x5FFFF;
	_ =	strace $0x90000049  }
0x2a: {  	s29 =	simm.s32 $0x9;
	_ =	strace $0x8000004B  }
0x2b: {  	_ =	swait.ge [sflag:s29], $0x1  }
0x2c: {  	[sflag:s29] =	ssyncadd.s32 $0xFFFFFFFF  }
0x2d: {  	_ =	strace $0x9000004B  }
0x2e: {  	_ =	sfence  }
0x2f: {  	s30 =	sld [smem:$0x0];
	_ =	sdelay $0x2  }
0x30: {  	s31 =	sshll.u32 s1, $0xD;
	s1 =	sshrl.u32 s1, $0x2  }
0x31: {  	s3 =	sand.u32 $0x4000, s31;
	s1 =	sadd.s32 s1, s30  }
0x32: {  	s0 =	sor.u32 s3, s0;
	s1 =	sshll.u32 s1, $0x11  }
0x33: {  	s0 =	sor.u32 s1, s0  }
0x34: {  	s0 =	sadd.s32 $0x8F2B, s0  }
0x35: {  	[sflag:s0] =	ssyncadd.remote.s32 $0x1  }
0x36: {  	_ =	sfence.sel $0xFFFF  }
0x37: {  	[dreg:$0x0] =	wrdreg $0xFFFFFFFF;
	(pc) =	sbr.abs _section_cstart, $3  }
0x38: {  	[dreg:$0x1] =	wrdreg $0xFFFFFFFF  }
0x39: {  	_ =	task.clear_ibuf [dreg:s7], $0x2FFFF;
	_ =	strace $0x9FFFFFFF  }
0x3a: {  	(tm) =	ssettm $0x7FFFFFFF  }
0x3b: {  	_ =	shalt  }
tec
execute0_lowered:
.L_overlay_start_1:
0x0: {  	(tag) =	ssettag $0x1  }
0x1: {  	s0 =	stileid.u32;
	s7 =	rddreg [dreg:$0x0]  }
0x2: {  	s2 =	srdreg.scid;
	s3 =	rddreg [dreg:$0x1];
	s6 =	simm.s32 $0x1  }
0x3: {  	s31 =	simm.s32 $0x2;
	s14 =	simm.s32 $0x0;
	s15 =	simm.s32 $0x0  }
0x4: {  	s16 =	simm.s32 $0x0;
	s11 =	simm.s32 $0x0;
	s1 =	sshll.u32 s0, $0x2  }
0x5: {  	s13 =	simm.s32 $0x0;
	s4 =	sand.u32 $0x1, s2;
	s5 =	ssub.s32 $0x40, s1  }
0x6: {  	s2 =	rddreg [dreg:$0x2];
	_ =	strace $0x8000004A;
	s30 =	sand.u32 $0x3C, s5  }
0x7: {  	s8 =	ssub.s32 $0x20, s4;
	s5 =	sshrl.u32 s5, $0x6;
	p0 =	sne.s32 s30, $0x0  }
.Ltmp0:
0x8: {  	s9 =	sshrl.u32 s8, $0x1;
	s6 =	simm.s32 @!p0 $0x0;
	(pc) =	sbr.rel .LBB1_1-.Ltmp0, $4  }
0x9: {  	s7 =	sadd.s32 $0x800, s7;
	s8 =	ssub.s32 s8, s9;
	s6 =	sadd.s32 s6, s5  }
0xa: {  	s10 =	smov.u32 s4;
	s5 =	simm.s32 $0x1;
	s6 =	smul.u32 s8, s6  }
0xb: {  	s12 =	smov.u32 s1;
	s9 =	simm.s32 $0x20000;
	[sflag:s5] =	ssyncpa.u1 $0x0  }
0xc: {  	p0 =	por $0x0, $0x0;
	[sflag:s31] =	ssyncpa.u1 $0x0;
	s8 =	sadd.s32 $0x1, s6  }
.LBB1_7:
0xd: {  	s17 =	sadd.s32 $0x2, s10  }
0xe: {  	s14 =	sadd.s32 $0x80, s11;
	s18 =	smov.u32 s11;
	p2 =	sgt.s32 s17, $0x1F  }
0xf: {  	s18 =	smov.u32 @p2 s14  }
0x10: {  	s20 =	smov.u32 s12;
	s14 =	sadd.s32 $0x40, s12;
	p3 =	sgt.s32 s18, $0x7F  }
0x11: {  	s20 =	smov.u32 @p3 s14  }
0x12: {  	s17 =	smov.u32 @p2 s4;
	p2 =	sgt.s32 s20, $0x3F  }
0x13: {  	p1 =	slt.u32 s13, $0x2;
	s20 =	smov.u32 @p2 s1;
	p2 =	sne.s32 s13, s8  }
.Ltmp1:
0x14: {  	s19 =	simm.s32 @!p1 $0x2;
	(pc) =	sbr.rel @!p2 .LBB1_8-.Ltmp1, $4  }
0x15: {  	s15 =	smov.u32 s11;
	s16 =	smov.u32 s12;
	_ =	swait.ge @!p1 [sflag:s19], $0x4000  }
0x16: {  	p0 =	por !p0, !p0;
	[sflag:s19] =	ssyncset.done @!p1 $0x0;
	s18 =	simm.s32 @p3 $0x0  }
0x17: {  	s14 =	smov.u32 s10;
	[sflag:s19] =	ssyncadd.s32 @!p1 $0xFFFFC000;
	s10 =	smov.u32 s17  }
0x18: {  	s11 =	smov.u32 s18;
	s13 =	sadd.s32 $0x1, s13;
	s12 =	smov.u32 s20  }
.LBB1_1:
0x19: {  	p1 =	sge.u32 s13, s6;
	s31 =	sadd.s32 $0xFFFFFFFF, s13  }
0x1a: {  	s17 =	sxor.u32 @!p1 $0xFFFFFFFF, s13;
	s18 =	sshll.u32 @!p1 s12, $0x10;
	s19 =	sshll.u32 @!p1 s11, $0x9  }
0x1b: {  	s20 =	sshll.u32 @!p1 s10, $0x4;
	s17 =	sshll.u32 @!p1 s17, $0xE;
	s18 =	sadd.s32 @!p1 s7, s18  }
0x1c: {  	s20 =	sand.u32 @!p1 $0x1F0, s20;
	s17 =	sand.u32 @!p1 $0x4000, s17;
	s18 =	sadd.s32 @!p1 s19, s18  }
0x1d: {  	s19 =	simm.s32 @!p1 $0x20;
	s18 =	sadd.s32 @!p1 s20, s18;
	s20 =	simm.s32 @!p1 $0x1000  }
0x1e: {  	[tilespmem:s17], [sflag:$0x1] =	stream.strided.gather @!p1 [hbm4b:s18+s19], $0x4000, s20, s19, $0x38;
	[tilespmem:$0x10100] =	vst v63  }
0x1f: {  	p1 =	sge.u32 s31, s6  }
.Ltmp2:
0x20: {  	_ = 	snop;
	(pc) =	sbr.rel @p1 .LBB1_7-.Ltmp2, $1  }
0x21: {  	_ =	sdelay $0x3  }
0x22: {  	s17 =	simm.s32 $0x1;
	s19 =	sand.u32 $0x1, s13  }
0x23: {  	_ =	swait.ge [sflag:s5], $0x4000;
	s17 =	simm.s32 @!p0 $0x0;
	s20 =	smul.u32 $0x10200, s19  }
0x24: {  	[sflag:s5] =	ssyncset.done $0x0;
	s18 =	smul.u32 $0x10200, s17  }
0x25: {  	s17 =	sshll.u32 s17, $0xE;
	[sflag:s5] =	ssyncadd.s32 $0xFFFFC000  }
0x26: {  	s19 =	sor.u32 $0x10, s17;
	s31 =	sshrl.u32 s20, $0x2;
	s18 =	sshrl.u32 s18, $0x2  }
0x27: {  	s20 =	simm.s32 $0x0;
	s17 =	sor.u32 $0x8000, s31;
	s18 =	sor.u32 $0x8000, s18  }
.LBB1_3:
0x28: {  	v1 =	vld [tilespmem:s19+$0x0]  }
0x29: {  	v0 =	vld [tilespmem:s19+$0xFFFFFFF0];
	_ =	sdelay $0x2  }
0x2a: {  	s23 =	sadd.s32 $0x0, s18  }
0x2b: {  	s21 =	simm.s32 $0x4;
	s22 =	sadd.s32 $0x20, s19;
	[tilespmem:s23+$0x810 ss:$0x81] =	vst.msk $0xffff, v1  }
.LBB1_4:
0x2c: {  	v1 =	vld [tilespmem:s22+$0x0];
	p1 =	sne.s32 s21, $0x1FC;
	[tilespmem:s23+$0x0 ss:$0x81] =	vst.msk $0xffff, v0;
	s23 =	smov.u32 s21;
	s21 =	sadd.s32 $0x4, s21  }
.Ltmp3:
0x2d: {  	v0 =	vld [tilespmem:s22+$0xFFFFFFF0];
	(pc) =	sbr.rel @p1 .LBB1_4-.Ltmp3, $4  }
0x2e: {  	_ = 	snop  }
0x2f: {  	s23 =	sshra.s32 s23, $0x2  }
0x30: {  	s23 =	sadd.s32 s23, s18  }
0x31: {  	s22 =	sadd.s32 $0x20, s22;
	[tilespmem:s23+$0x810 ss:$0x81] =	vst.msk $0xffff, v1  }
0x32: {  	s20 =	sadd.s32 $0x1, s20  }
0x33: {  	p1 =	sne.s32 s20, $0x4  }
.Ltmp4:
0x34: {  	_ = 	snop;
	(pc) =	sbr.rel @p1 .LBB1_3-.Ltmp4, $2  }
0x35: {  	_ =	sdelay $0x2  }
0x36: {  	[tilespmem:s23+$0x0 ss:$0x81] =	vst.msk $0xffff, v0;
	s18 =	sadd.s32 $0x1020, s18;
	s19 =	sadd.s32 $0x1000, s19  }
0x37: {  	s16 =	sshll.u32 s16, $0xE;
	s18 =	sand.u32 $0x180, s15  }
.Ltmp5:
0x38: {  	s14 =	sshll.u32 s14, $0x9;
	s16 =	sadd.s32 s3, s16;
	(pc) =	sbr.rel .LBB1_7-.Ltmp5, $4  }
0x39: {  	s19 =	sshrl.u32 s15, $0x3;
	s30 =	sand.u32 $0x7, s15;
	s16 =	sadd.s32 s18, s16  }
0x3a: {  	s31 =	sand.u32 $0xF, s19;
	s15 =	sshll.u32 s30, $0x12;
	s14 =	sadd.s32 s14, s16  }
0x3b: {  	s15 =	sor.u32 $0x1000, s15;
	s14 =	sadd.s32 s31, s14  }
0x3c: {  	[hbm4b:s14+s15] =	stream.strided.scatter [tilespmem:s17], [sflag:$0x2], $0x4000, s9, s15, $0x20;
	[tilespmem:$0x10100] =	vst v63  }
.LBB1_8:
0x3d: {  	_ =	sfence.sel $0x180000  }
0x3e: {  	s1 =	simm.s32 $0x1;
	[bflag:$0x0] =	sbarrier.arrive $0xFFFF  }
0x3f: {  	s31 =	simm.s32 $0x2;
	[sflag:s1] =	ssyncpa.u1 $0x1  }
0x40: {  	[sflag:s31] =	ssyncpa.u1 $0x1  }
0x41: {  	p0 =	sne.s32 s0, $0x0;
	_ =	strace $0x9000004A  }
0x42: {  	s0 =	sadd.s32 @!p0 $0x100000, s2;
	[bflag:$0x2] =	sbarrier.arrive $0xFFFF  }
0x43: {  	[sflag:s0] =	ssyncadd.tile.s32 @!p0 $0x1;
	_ =	shalt  }
.Lfunc_end1:
_tile_overlayer_lowered:
.L_overlay_start_2:
0x44: {  	(tag) =	ssettag $0x2  }
0x45: {  	s0 =	rddreg [dreg:$0x0];
	s2 =	stileid.u32  }
0x46: {  	s1 =	rddreg [dreg:$0x1];
	p0 =	sne.s32 s2, $0x0  }
0x47: {  	s3 =	rddreg [dreg:$0x2];
	[bflag:$0x3] =	sbarrier.arrive $0xFFFF;
	s2 =	simm.s32 @!p0 $0x1C01  }
0x48: {  	[timem:s3], [sflag:s2] =	dma.local @!p0 [hbm:s0], s1  }
0x49: {  	s0 =	simm.s32 @!p0 $0x1  }
0x4a: {  	_ =	swait.ge @!p0 [sflag:s0], s1  }
0x4b: {  	s1 =	ssub.s32 @!p0 $0x0, s1;
	[sflag:s0] =	ssyncset.done @!p0 $0x0  }
0x4c: {  	[sflag:s0] =	ssyncadd.s32 @!p0 s1  }
0x4d: {  	[bflag:$0x3] =	sbarrier.arrive $0xFFFF  }
0x4e: {  	_ =	shalt  }

</sc_bundles>
